<compile_context>
chip_gen: v7x
topology: tpu7x:2x2x1
jax: 0.10.2.dev20260603
libtpu: 0.0.44.dev20260713+nightly
codegen_flags: <defaults>
</compile_context>

<pallas_src>
import functools

import jax
import jax.numpy as jnp
from jax import lax
from jax.experimental import pallas as pl
from jax.experimental.pallas import tpu as pltpu
from jax.experimental.pallas import tpu_sc as plsc

EMBED = 1024
VOCAB = 32000
TOKENS = 4096

NC, NS, L = 2, 16, 16
NW = NC * NS
BPW = TOKENS // NW
GB = 32
NB = BPW // GB

BN = 256
TB = 1024
NJ = VOCAB // BN
NT = TOKENS // TB

_mesh = plsc.VectorSubcoreMesh(core_axis_name="c", subcore_axis_name="s")


@functools.partial(
    pl.kernel,
    mesh=_mesh,
    out_type=(
        jax.ShapeDtypeStruct((TOKENS, EMBED), jnp.float32),
        jax.ShapeDtypeStruct((TOKENS, 128), jnp.float32),
    ),
    scratch_types=[
        pltpu.VMEM((BPW,), jnp.int32),
        pltpu.VMEM((GB,), jnp.int32),
        pltpu.VMEM((GB,), jnp.int32),
        pltpu.VMEM((GB,), jnp.int32),
        pltpu.VMEM((GB,), jnp.int32),
        pltpu.VMEM((BPW, 128), jnp.float32),
        pltpu.VMEM((GB, EMBED), jnp.float32),
        pltpu.VMEM((GB, EMBED), jnp.float32),
        pltpu.SemaphoreType.DMA,
        pltpu.SemaphoreType.DMA,
        pltpu.SemaphoreType.DMA,
        pltpu.SemaphoreType.DMA,
        pltpu.SemaphoreType.DMA,
    ],
)
def _lookup(emb_hbm, pos2_hbm, idx_hbm, a_hbm, px_hbm,
            idx_v, ib0, ib1, ib2, ib3, pxbuf, buf0, buf1,
            gs0, gs1, ss0, ss1, psem):
    wid = lax.axis_index("s") * NC + lax.axis_index("c")
    base = wid * BPW
    pltpu.sync_copy(idx_hbm.at[pl.ds(base, BPW)], idx_v)

    ib = (ib0, ib1, ib2, ib3)
    for bt in range(NB):
        pltpu.sync_copy(idx_hbm.at[pl.ds(base + bt * GB, GB)], ib[bt])

    pltpu.async_copy(pos2_hbm.at[idx_v], pxbuf, psem)
    pltpu.make_async_copy(pos2_hbm.at[idx_v], pxbuf, psem).wait()
    pltpu.async_copy(pxbuf, px_hbm.at[pl.ds(base, BPW), :], psem)

    buf = (buf0, buf1)
    gs = (gs0, gs1)
    ss = (ss0, ss1)

    def emb_slice(bt):
        return emb_hbm.at[ib[bt]]

    def a_slice(bt):
        return a_hbm.at[pl.ds(base + bt * GB, GB), :]

    def g_start(s, bt):
        pltpu.async_copy(emb_slice(bt), buf[s], gs[s])

    def g_wait(s, bt):
        pltpu.make_async_copy(emb_slice(bt), buf[s], gs[s]).wait()

    def s_start(s, bt):
        pltpu.async_copy(buf[s], a_slice(bt), ss[s])

    def s_wait(s, bt):
        pltpu.make_async_copy(buf[s], a_slice(bt), ss[s]).wait()

    g_start(0, 0)
    g_start(1, 1)
    for bt in range(NB):
        s = bt % 2
        g_wait(s, bt)
        s_start(s, bt)
        s_wait(s, bt)
        if bt + 2 < NB:
            g_start(s, bt + 2)

    pltpu.make_async_copy(pxbuf, px_hbm.at[pl.ds(base, BPW), :], psem).wait()


def _proj_body(a_ref, px_ref, w_ref, b_ref, o_ref, abf_ref, wbf_ref):
    @pl.when(pl.program_id(0) == 0)
    def _():
        abf_ref[...] = (a_ref[...] + px_ref[:, 0:1]).astype(jnp.bfloat16)

    wbf_ref[...] = w_ref[...].astype(jnp.bfloat16)
    o_ref[...] = lax.dot_general(
        abf_ref[...], wbf_ref[...], (((1,), (0,)), ((), ())),
        preferred_element_type=jnp.float32) + b_ref[...]


def _project(a, px, W, b2):
    return pl.pallas_call(
        _proj_body,
        grid=(NJ,),
        in_specs=[
            pl.BlockSpec((TOKENS, EMBED), lambda j: (0, 0)),
            pl.BlockSpec((TOKENS, 128), lambda j: (0, 0)),
            pl.BlockSpec((EMBED, BN), lambda j: (0, j)),
            pl.BlockSpec((1, BN), lambda j: (0, j)),
        ],
        out_specs=pl.BlockSpec((TOKENS, BN), lambda j: (0, j)),
        out_shape=jax.ShapeDtypeStruct((TOKENS, VOCAB), jnp.float32),
        scratch_shapes=[
            pltpu.VMEM((TOKENS, EMBED), jnp.bfloat16),
            pltpu.VMEM((EMBED, BN), jnp.bfloat16),
        ],
    )(a, px, W, b2)


def kernel(x, emb_table, pos_table, W, b):
    xf = x.reshape(-1).astype(jnp.int32)
    pos2 = jnp.broadcast_to(pos_table.reshape(EMBED, 1), (EMBED, 128))
    a, px = _lookup(emb_table, pos2, xf)
    out2 = _project(a, px, W, b.reshape(1, VOCAB))
    return out2.reshape(x.shape[0], x.shape[1], VOCAB)

# --- scband reference (transcript-rebuilt; emitter-appended) ---
"""Pipeline reference for scband-gptmodel-15530601742368 (READ-ONLY COPY).

The authoritative reference and input builder live on the scoring server;
editing this copy changes nothing except your own understanding.
"""

import jax, jax.numpy as jnp
import numpy as np

EMBED_SIZE = 1024
VOCAB_SIZE = 32000
BATCH = 2
SEQ = 2048

def setup_inputs(seed: int = 0) -> dict:
    key = jax.random.key(seed)
    k_x, k_emb, k_pos, k_w, k_b = jax.random.split(key, 5)
    x = jax.random.randint(k_x, (BATCH, SEQ), 0, EMBED_SIZE, dtype=jnp.int64 if jax.config.jax_enable_x64 else jnp.int32)
    # Learned parameters (mirror torch defaults in scale roughly)
    emb_table = jax.random.normal(k_emb, (EMBED_SIZE, EMBED_SIZE), dtype=jnp.float32)
    pos_table = jax.random.normal(k_pos, (EMBED_SIZE, 1), dtype=jnp.float32)
    W = jax.random.normal(k_w, (EMBED_SIZE, VOCAB_SIZE), dtype=jnp.float32) * (1.0 / np.sqrt(EMBED_SIZE))
    b = jnp.zeros((VOCAB_SIZE,), dtype=jnp.float32)
    return {"x": x, "emb_table": emb_table, "pos_table": pos_table, "W": W, "b": b}

def reference(x, emb_table, pos_table, W, b):
    # x_emb = self.embedding(x)
    x_emb = jnp.take(emb_table, x, axis=0)            # [B, S, E]
    # pos_embedding = self.pos_embeddings(x)
    pos_embedding = jnp.take(pos_table, x, axis=0)    # [B, S, 1]
    # out = x_emb + pos_embedding  (the original code has a typo `out = out + ...`;
    # the only well-defined intent is adding the positional embedding to x_emb)
    out = x_emb + pos_embedding                        # broadcast over last dim
    # out = self.project(out)
    out = jnp.einsum('bse,ev->bsv', out, W) + b        # [B, S, V]
    return out

if __name__ == "__main__":
    import jax
    _d = setup_inputs()
    print(jax.jit(kernel)(*tuple(_d.values())))

</pallas_src>

<mosaic_0001>
#map = affine_map<(d0, d1) -> (0, 0)>
#map1 = affine_map<(d0, d1) -> (0)>
module attributes {stable_mosaic.version = 14 : i64} {
  func.func @_lookup(%arg0: i32, %arg1: i32, %arg2: memref<1024x1024xf32, #tpu.memory_space<hbm>>, %arg3: memref<1024x128xf32, #tpu.memory_space<hbm>>, %arg4: memref<4096xi32, #tpu.memory_space<hbm>>, %arg5: memref<4096x1024xf32, #tpu.memory_space<hbm>>, %arg6: memref<4096x128xf32, #tpu.memory_space<hbm>>, %arg7: memref<128xi32, #tpu.memory_space<vmem>>, %arg8: memref<32xi32, #tpu.memory_space<vmem>>, %arg9: memref<32xi32, #tpu.memory_space<vmem>>, %arg10: memref<32xi32, #tpu.memory_space<vmem>>, %arg11: memref<32xi32, #tpu.memory_space<vmem>>, %arg12: memref<128x128xf32, #tpu.memory_space<vmem>>, %arg13: memref<32x1024xf32, #tpu.memory_space<vmem>>, %arg14: memref<32x1024xf32, #tpu.memory_space<vmem>>, %arg15: memref<!tpu.dma_semaphore, #tpu.memory_space<semaphore_mem>>, %arg16: memref<!tpu.dma_semaphore, #tpu.memory_space<semaphore_mem>>, %arg17: memref<!tpu.dma_semaphore, #tpu.memory_space<semaphore_mem>>, %arg18: memref<!tpu.dma_semaphore, #tpu.memory_space<semaphore_mem>>, %arg19: memref<!tpu.dma_semaphore, #tpu.memory_space<semaphore_mem>>) attributes {dimension_semantics = [#tpu.dimension_semantics<core_parallel>, #tpu.dimension_semantics<subcore_parallel>], iteration_bounds = array<i64: 2, 16>, scalar_prefetch = 0 : i64, scratch_operands = 13 : i64, tpu.core_type = #tpu.core_type<sc_vector_subcore>, window_params = [{transform_indices = #map}, {transform_indices = #map}, {transform_indices = #map1}, {transform_indices = #map}, {transform_indices = #map}]} {
    %mul3A = arith.constant 2 : i32
    %mul3A_0 = arith.muli %arg1, %mul3A : i32
    %add3A = arith.addi %mul3A_0, %arg0 : i32
    %mul3A_1 = arith.constant 128 : i32
    %mul3A_2 = arith.muli %add3A, %mul3A_1 : i32
    "tpu.region"() ({
      %run_scoped3A = tpu.sem_alloc : memref<!tpu.dma_semaphore, #tpu.memory_space<semaphore_mem>>
      %dma_start3A_95 = tpu.memref_slice %arg4[%mul3A_2] : memref<4096xi32, #tpu.memory_space<hbm>> -> memref<128xi32, #tpu.memory_space<hbm>>
      %dma_start3A_96 = tpu.memref_slice %arg4[%mul3A_2] : memref<4096xi32, #tpu.memory_space<hbm>> -> memref<128xi32, #tpu.memory_space<hbm>>
      tpu.enqueue_dma source(%dma_start3A_96 : memref<128xi32, #tpu.memory_space<hbm>>) target(%arg7 : memref<128xi32, #tpu.memory_space<vmem>>) target_semaphore(%run_scoped3A : memref<!tpu.dma_semaphore, #tpu.memory_space<semaphore_mem>>)
      %dma_wait3A_97 = tpu.memref_slice %arg4[%mul3A_2] : memref<4096xi32, #tpu.memory_space<hbm>> -> memref<128xi32, #tpu.memory_space<hbm>>
      %dma_wait3A_98 = tpu.memref_slice %arg4[%mul3A_2] : memref<4096xi32, #tpu.memory_space<hbm>> -> memref<128xi32, #tpu.memory_space<hbm>>
      tpu.wait_dma2 semaphore(%run_scoped3A : memref<!tpu.dma_semaphore, #tpu.memory_space<semaphore_mem>>) src(%dma_wait3A_98 : memref<128xi32, #tpu.memory_space<hbm>>) dst(%arg7 : memref<128xi32, #tpu.memory_space<vmem>>)
      tpu.yield
    }) : () -> ()
    %add3A_3 = arith.constant 0 : i32
    %add3A_4 = arith.addi %mul3A_2, %add3A_3 : i32
    "tpu.region"() ({
      %run_scoped3A = tpu.sem_alloc : memref<!tpu.dma_semaphore, #tpu.memory_space<semaphore_mem>>
      %dma_start3A_95 = tpu.memref_slice %arg4[%add3A_4] : memref<4096xi32, #tpu.memory_space<hbm>> -> memref<32xi32, #tpu.memory_space<hbm>>
      %dma_start3A_96 = tpu.memref_slice %arg4[%add3A_4] : memref<4096xi32, #tpu.memory_space<hbm>> -> memref<32xi32, #tpu.memory_space<hbm>>
      tpu.enqueue_dma source(%dma_start3A_96 : memref<32xi32, #tpu.memory_space<hbm>>) target(%arg8 : memref<32xi32, #tpu.memory_space<vmem>>) target_semaphore(%run_scoped3A : memref<!tpu.dma_semaphore, #tpu.memory_space<semaphore_mem>>)
      %dma_wait3A_97 = tpu.memref_slice %arg4[%add3A_4] : memref<4096xi32, #tpu.memory_space<hbm>> -> memref<32xi32, #tpu.memory_space<hbm>>
      %dma_wait3A_98 = tpu.memref_slice %arg4[%add3A_4] : memref<4096xi32, #tpu.memory_space<hbm>> -> memref<32xi32, #tpu.memory_space<hbm>>
      tpu.wait_dma2 semaphore(%run_scoped3A : memref<!tpu.dma_semaphore, #tpu.memory_space<semaphore_mem>>) src(%dma_wait3A_98 : memref<32xi32, #tpu.memory_space<hbm>>) dst(%arg8 : memref<32xi32, #tpu.memory_space<vmem>>)
      tpu.yield
    }) : () -> ()
    %add3A_5 = arith.constant 32 : i32
    %add3A_6 = arith.addi %mul3A_2, %add3A_5 : i32
    "tpu.region"() ({
      %run_scoped3A = tpu.sem_alloc : memref<!tpu.dma_semaphore, #tpu.memory_space<semaphore_mem>>
      %dma_start3A_95 = tpu.memref_slice %arg4[%add3A_6] : memref<4096xi32, #tpu.memory_space<hbm>> -> memref<32xi32, #tpu.memory_space<hbm>>
      %dma_start3A_96 = tpu.memref_slice %arg4[%add3A_6] : memref<4096xi32, #tpu.memory_space<hbm>> -> memref<32xi32, #tpu.memory_space<hbm>>
      tpu.enqueue_dma source(%dma_start3A_96 : memref<32xi32, #tpu.memory_space<hbm>>) target(%arg9 : memref<32xi32, #tpu.memory_space<vmem>>) target_semaphore(%run_scoped3A : memref<!tpu.dma_semaphore, #tpu.memory_space<semaphore_mem>>)
      %dma_wait3A_97 = tpu.memref_slice %arg4[%add3A_6] : memref<4096xi32, #tpu.memory_space<hbm>> -> memref<32xi32, #tpu.memory_space<hbm>>
      %dma_wait3A_98 = tpu.memref_slice %arg4[%add3A_6] : memref<4096xi32, #tpu.memory_space<hbm>> -> memref<32xi32, #tpu.memory_space<hbm>>
      tpu.wait_dma2 semaphore(%run_scoped3A : memref<!tpu.dma_semaphore, #tpu.memory_space<semaphore_mem>>) src(%dma_wait3A_98 : memref<32xi32, #tpu.memory_space<hbm>>) dst(%arg9 : memref<32xi32, #tpu.memory_space<vmem>>)
      tpu.yield
    }) : () -> ()
    %add3A_7 = arith.constant 64 : i32
    %add3A_8 = arith.addi %mul3A_2, %add3A_7 : i32
    "tpu.region"() ({
      %run_scoped3A = tpu.sem_alloc : memref<!tpu.dma_semaphore, #tpu.memory_space<semaphore_mem>>
      %dma_start3A_95 = tpu.memref_slice %arg4[%add3A_8] : memref<4096xi32, #tpu.memory_space<hbm>> -> memref<32xi32, #tpu.memory_space<hbm>>
      %dma_start3A_96 = tpu.memref_slice %arg4[%add3A_8] : memref<4096xi32, #tpu.memory_space<hbm>> -> memref<32xi32, #tpu.memory_space<hbm>>
      tpu.enqueue_dma source(%dma_start3A_96 : memref<32xi32, #tpu.memory_space<hbm>>) target(%arg10 : memref<32xi32, #tpu.memory_space<vmem>>) target_semaphore(%run_scoped3A : memref<!tpu.dma_semaphore, #tpu.memory_space<semaphore_mem>>)
      %dma_wait3A_97 = tpu.memref_slice %arg4[%add3A_8] : memref<4096xi32, #tpu.memory_space<hbm>> -> memref<32xi32, #tpu.memory_space<hbm>>
      %dma_wait3A_98 = tpu.memref_slice %arg4[%add3A_8] : memref<4096xi32, #tpu.memory_space<hbm>> -> memref<32xi32, #tpu.memory_space<hbm>>
      tpu.wait_dma2 semaphore(%run_scoped3A : memref<!tpu.dma_semaphore, #tpu.memory_space<semaphore_mem>>) src(%dma_wait3A_98 : memref<32xi32, #tpu.memory_space<hbm>>) dst(%arg10 : memref<32xi32, #tpu.memory_space<vmem>>)
      tpu.yield
    }) : () -> ()
    %add3A_9 = arith.constant 96 : i32
    %add3A_10 = arith.addi %mul3A_2, %add3A_9 : i32
    "tpu.region"() ({
      %run_scoped3A = tpu.sem_alloc : memref<!tpu.dma_semaphore, #tpu.memory_space<semaphore_mem>>
      %dma_start3A_95 = tpu.memref_slice %arg4[%add3A_10] : memref<4096xi32, #tpu.memory_space<hbm>> -> memref<32xi32, #tpu.memory_space<hbm>>
      %dma_start3A_96 = tpu.memref_slice %arg4[%add3A_10] : memref<4096xi32, #tpu.memory_space<hbm>> -> memref<32xi32, #tpu.memory_space<hbm>>
      tpu.enqueue_dma source(%dma_start3A_96 : memref<32xi32, #tpu.memory_space<hbm>>) target(%arg11 : memref<32xi32, #tpu.memory_space<vmem>>) target_semaphore(%run_scoped3A : memref<!tpu.dma_semaphore, #tpu.memory_space<semaphore_mem>>)
      %dma_wait3A_97 = tpu.memref_slice %arg4[%add3A_10] : memref<4096xi32, #tpu.memory_space<hbm>> -> memref<32xi32, #tpu.memory_space<hbm>>
      %dma_wait3A_98 = tpu.memref_slice %arg4[%add3A_10] : memref<4096xi32, #tpu.memory_space<hbm>> -> memref<32xi32, #tpu.memory_space<hbm>>
      tpu.wait_dma2 semaphore(%run_scoped3A : memref<!tpu.dma_semaphore, #tpu.memory_space<semaphore_mem>>) src(%dma_wait3A_98 : memref<32xi32, #tpu.memory_space<hbm>>) dst(%arg11 : memref<32xi32, #tpu.memory_space<vmem>>)
      tpu.yield
    }) : () -> ()
    %dma_start3A = arith.constant 0 : i32
    %dma_start3A_11 = arith.constant 0 : i32
    %dma_start3A_12 = tpu.memref_slice %arg3[%dma_start3A, %dma_start3A_11] : memref<1024x128xf32, #tpu.memory_space<hbm>> -> memref<1024x128xf32, #tpu.memory_space<hbm>>
    tpu.enqueue_indirect_dma source(%dma_start3A_12 : memref<1024x128xf32, #tpu.memory_space<hbm>>) target(%arg12 : memref<128x128xf32, #tpu.memory_space<vmem>>) offsets(%arg7 : memref<128xi32, #tpu.memory_space<vmem>>) semaphore(%arg19 : memref<!tpu.dma_semaphore, #tpu.memory_space<semaphore_mem>>)
    %dma_wait3A = arith.constant 0 : i32
    %dma_wait3A_13 = arith.constant 0 : i32
    %dma_wait3A_14 = tpu.memref_slice %arg3[%dma_wait3A, %dma_wait3A_13] : memref<1024x128xf32, #tpu.memory_space<hbm>> -> memref<1024x128xf32, #tpu.memory_space<hbm>>
    tpu.wait_indirect_dma semaphore(%arg19 : memref<!tpu.dma_semaphore, #tpu.memory_space<semaphore_mem>>) src(%dma_wait3A_14 : memref<1024x128xf32, #tpu.memory_space<hbm>>) dst(%arg12 : memref<128x128xf32, #tpu.memory_space<vmem>>)
    %dma_start3A_15 = arith.constant 0 : i32
    %dma_start3A_16 = tpu.memref_slice %arg6[%mul3A_2, %dma_start3A_15] : memref<4096x128xf32, #tpu.memory_space<hbm>> -> memref<128x128xf32, #tpu.memory_space<hbm>>
    %dma_start3A_17 = arith.constant 0 : i32
    %dma_start3A_18 = tpu.memref_slice %arg6[%mul3A_2, %dma_start3A_17] : memref<4096x128xf32, #tpu.memory_space<hbm>> -> memref<128x128xf32, #tpu.memory_space<hbm>>
    tpu.enqueue_dma source(%arg12 : memref<128x128xf32, #tpu.memory_space<vmem>>) target(%dma_start3A_18 : memref<128x128xf32, #tpu.memory_space<hbm>>) target_semaphore(%arg19 : memref<!tpu.dma_semaphore, #tpu.memory_space<semaphore_mem>>)
    %dma_start3A_19 = arith.constant 0 : i32
    %dma_start3A_20 = arith.constant 0 : i32
    %dma_start3A_21 = tpu.memref_slice %arg2[%dma_start3A_19, %dma_start3A_20] : memref<1024x1024xf32, #tpu.memory_space<hbm>> -> memref<1024x1024xf32, #tpu.memory_space<hbm>>
    tpu.enqueue_indirect_dma source(%dma_start3A_21 : memref<1024x1024xf32, #tpu.memory_space<hbm>>) target(%arg13 : memref<32x1024xf32, #tpu.memory_space<vmem>>) offsets(%arg8 : memref<32xi32, #tpu.memory_space<vmem>>) semaphore(%arg15 : memref<!tpu.dma_semaphore, #tpu.memory_space<semaphore_mem>>)
    %dma_start3A_22 = arith.constant 0 : i32
    %dma_start3A_23 = arith.constant 0 : i32
    %dma_start3A_24 = tpu.memref_slice %arg2[%dma_start3A_22, %dma_start3A_23] : memref<1024x1024xf32, #tpu.memory_space<hbm>> -> memref<1024x1024xf32, #tpu.memory_space<hbm>>
    tpu.enqueue_indirect_dma source(%dma_start3A_24 : memref<1024x1024xf32, #tpu.memory_space<hbm>>) target(%arg14 : memref<32x1024xf32, #tpu.memory_space<vmem>>) offsets(%arg9 : memref<32xi32, #tpu.memory_space<vmem>>) semaphore(%arg16 : memref<!tpu.dma_semaphore, #tpu.memory_space<semaphore_mem>>)
    %dma_wait3A_25 = arith.constant 0 : i32
    %dma_wait3A_26 = arith.constant 0 : i32
    %dma_wait3A_27 = tpu.memref_slice %arg2[%dma_wait3A_25, %dma_wait3A_26] : memref<1024x1024xf32, #tpu.memory_space<hbm>> -> memref<1024x1024xf32, #tpu.memory_space<hbm>>
    tpu.wait_indirect_dma semaphore(%arg15 : memref<!tpu.dma_semaphore, #tpu.memory_space<semaphore_mem>>) src(%dma_wait3A_27 : memref<1024x1024xf32, #tpu.memory_space<hbm>>) dst(%arg13 : memref<32x1024xf32, #tpu.memory_space<vmem>>)
    %add3A_28 = arith.constant 0 : i32
    %add3A_29 = arith.addi %mul3A_2, %add3A_28 : i32
    %dma_start3A_30 = arith.constant 0 : i32
    %dma_start3A_31 = tpu.memref_slice %arg5[%add3A_29, %dma_start3A_30] : memref<4096x1024xf32, #tpu.memory_space<hbm>> -> memref<32x1024xf32, #tpu.memory_space<hbm>>
    %dma_start3A_32 = arith.constant 0 : i32
    %dma_start3A_33 = tpu.memref_slice %arg5[%add3A_29, %dma_start3A_32] : memref<4096x1024xf32, #tpu.memory_space<hbm>> -> memref<32x1024xf32, #tpu.memory_space<hbm>>
    tpu.enqueue_dma source(%arg13 : memref<32x1024xf32, #tpu.memory_space<vmem>>) target(%dma_start3A_33 : memref<32x1024xf32, #tpu.memory_space<hbm>>) target_semaphore(%arg17 : memref<!tpu.dma_semaphore, #tpu.memory_space<semaphore_mem>>)
    %add3A_34 = arith.constant 0 : i32
    %add3A_35 = arith.addi %mul3A_2, %add3A_34 : i32
    %dma_wait3A_36 = arith.constant 0 : i32
    %dma_wait3A_37 = tpu.memref_slice %arg5[%add3A_35, %dma_wait3A_36] : memref<4096x1024xf32, #tpu.memory_space<hbm>> -> memref<32x1024xf32, #tpu.memory_space<hbm>>
    %dma_wait3A_38 = arith.constant 0 : i32
    %dma_wait3A_39 = tpu.memref_slice %arg5[%add3A_35, %dma_wait3A_38] : memref<4096x1024xf32, #tpu.memory_space<hbm>> -> memref<32x1024xf32, #tpu.memory_space<hbm>>
    tpu.wait_dma2 semaphore(%arg17 : memref<!tpu.dma_semaphore, #tpu.memory_space<semaphore_mem>>) src(%arg13 : memref<32x1024xf32, #tpu.memory_space<vmem>>) dst(%dma_wait3A_39 : memref<32x1024xf32, #tpu.memory_space<hbm>>)
    %dma_start3A_40 = arith.constant 0 : i32
    %dma_start3A_41 = arith.constant 0 : i32
    %dma_start3A_42 = tpu.memref_slice %arg2[%dma_start3A_40, %dma_start3A_41] : memref<1024x1024xf32, #tpu.memory_space<hbm>> -> memref<1024x1024xf32, #tpu.memory_space<hbm>>
    tpu.enqueue_indirect_dma source(%dma_start3A_42 : memref<1024x1024xf32, #tpu.memory_space<hbm>>) target(%arg13 : memref<32x1024xf32, #tpu.memory_space<vmem>>) offsets(%arg10 : memref<32xi32, #tpu.memory_space<vmem>>) semaphore(%arg15 : memref<!tpu.dma_semaphore, #tpu.memory_space<semaphore_mem>>)
    %dma_wait3A_43 = arith.constant 0 : i32
    %dma_wait3A_44 = arith.constant 0 : i32
    %dma_wait3A_45 = tpu.memref_slice %arg2[%dma_wait3A_43, %dma_wait3A_44] : memref<1024x1024xf32, #tpu.memory_space<hbm>> -> memref<1024x1024xf32, #tpu.memory_space<hbm>>
    tpu.wait_indirect_dma semaphore(%arg16 : memref<!tpu.dma_semaphore, #tpu.memory_space<semaphore_mem>>) src(%dma_wait3A_45 : memref<1024x1024xf32, #tpu.memory_space<hbm>>) dst(%arg14 : memref<32x1024xf32, #tpu.memory_space<vmem>>)
    %add3A_46 = arith.constant 32 : i32
    %add3A_47 = arith.addi %mul3A_2, %add3A_46 : i32
    %dma_start3A_48 = arith.constant 0 : i32
    %dma_start3A_49 = tpu.memref_slice %arg5[%add3A_47, %dma_start3A_48] : memref<4096x1024xf32, #tpu.memory_space<hbm>> -> memref<32x1024xf32, #tpu.memory_space<hbm>>
    %dma_start3A_50 = arith.constant 0 : i32
    %dma_start3A_51 = tpu.memref_slice %arg5[%add3A_47, %dma_start3A_50] : memref<4096x1024xf32, #tpu.memory_space<hbm>> -> memref<32x1024xf32, #tpu.memory_space<hbm>>
    tpu.enqueue_dma source(%arg14 : memref<32x1024xf32, #tpu.memory_space<vmem>>) target(%dma_start3A_51 : memref<32x1024xf32, #tpu.memory_space<hbm>>) target_semaphore(%arg18 : memref<!tpu.dma_semaphore, #tpu.memory_space<semaphore_mem>>)
    %add3A_52 = arith.constant 32 : i32
    %add3A_53 = arith.addi %mul3A_2, %add3A_52 : i32
    %dma_wait3A_54 = arith.constant 0 : i32
    %dma_wait3A_55 = tpu.memref_slice %arg5[%add3A_53, %dma_wait3A_54] : memref<4096x1024xf32, #tpu.memory_space<hbm>> -> memref<32x1024xf32, #tpu.memory_space<hbm>>
    %dma_wait3A_56 = arith.constant 0 : i32
    %dma_wait3A_57 = tpu.memref_slice %arg5[%add3A_53, %dma_wait3A_56] : memref<4096x1024xf32, #tpu.memory_space<hbm>> -> memref<32x1024xf32, #tpu.memory_space<hbm>>
    tpu.wait_dma2 semaphore(%arg18 : memref<!tpu.dma_semaphore, #tpu.memory_space<semaphore_mem>>) src(%arg14 : memref<32x1024xf32, #tpu.memory_space<vmem>>) dst(%dma_wait3A_57 : memref<32x1024xf32, #tpu.memory_space<hbm>>)
    %dma_start3A_58 = arith.constant 0 : i32
    %dma_start3A_59 = arith.constant 0 : i32
    %dma_start3A_60 = tpu.memref_slice %arg2[%dma_start3A_58, %dma_start3A_59] : memref<1024x1024xf32, #tpu.memory_space<hbm>> -> memref<1024x1024xf32, #tpu.memory_space<hbm>>
    tpu.enqueue_indirect_dma source(%dma_start3A_60 : memref<1024x1024xf32, #tpu.memory_space<hbm>>) target(%arg14 : memref<32x1024xf32, #tpu.memory_space<vmem>>) offsets(%arg11 : memref<32xi32, #tpu.memory_space<vmem>>) semaphore(%arg16 : memref<!tpu.dma_semaphore, #tpu.memory_space<semaphore_mem>>)
    %dma_wait3A_61 = arith.constant 0 : i32
    %dma_wait3A_62 = arith.constant 0 : i32
    %dma_wait3A_63 = tpu.memref_slice %arg2[%dma_wait3A_61, %dma_wait3A_62] : memref<1024x1024xf32, #tpu.memory_space<hbm>> -> memref<1024x1024xf32, #tpu.memory_space<hbm>>
    tpu.wait_indirect_dma semaphore(%arg15 : memref<!tpu.dma_semaphore, #tpu.memory_space<semaphore_mem>>) src(%dma_wait3A_63 : memref<1024x1024xf32, #tpu.memory_space<hbm>>) dst(%arg13 : memref<32x1024xf32, #tpu.memory_space<vmem>>)
    %add3A_64 = arith.constant 64 : i32
    %add3A_65 = arith.addi %mul3A_2, %add3A_64 : i32
    %dma_start3A_66 = arith.constant 0 : i32
    %dma_start3A_67 = tpu.memref_slice %arg5[%add3A_65, %dma_start3A_66] : memref<4096x1024xf32, #tpu.memory_space<hbm>> -> memref<32x1024xf32, #tpu.memory_space<hbm>>
    %dma_start3A_68 = arith.constant 0 : i32
    %dma_start3A_69 = tpu.memref_slice %arg5[%add3A_65, %dma_start3A_68] : memref<4096x1024xf32, #tpu.memory_space<hbm>> -> memref<32x1024xf32, #tpu.memory_space<hbm>>
    tpu.enqueue_dma source(%arg13 : memref<32x1024xf32, #tpu.memory_space<vmem>>) target(%dma_start3A_69 : memref<32x1024xf32, #tpu.memory_space<hbm>>) target_semaphore(%arg17 : memref<!tpu.dma_semaphore, #tpu.memory_space<semaphore_mem>>)
    %add3A_70 = arith.constant 64 : i32
    %add3A_71 = arith.addi %mul3A_2, %add3A_70 : i32
    %dma_wait3A_72 = arith.constant 0 : i32
    %dma_wait3A_73 = tpu.memref_slice %arg5[%add3A_71, %dma_wait3A_72] : memref<4096x1024xf32, #tpu.memory_space<hbm>> -> memref<32x1024xf32, #tpu.memory_space<hbm>>
    %dma_wait3A_74 = arith.constant 0 : i32
    %dma_wait3A_75 = tpu.memref_slice %arg5[%add3A_71, %dma_wait3A_74] : memref<4096x1024xf32, #tpu.memory_space<hbm>> -> memref<32x1024xf32, #tpu.memory_space<hbm>>
    tpu.wait_dma2 semaphore(%arg17 : memref<!tpu.dma_semaphore, #tpu.memory_space<semaphore_mem>>) src(%arg13 : memref<32x1024xf32, #tpu.memory_space<vmem>>) dst(%dma_wait3A_75 : memref<32x1024xf32, #tpu.memory_space<hbm>>)
    %dma_wait3A_76 = arith.constant 0 : i32
    %dma_wait3A_77 = arith.constant 0 : i32
    %dma_wait3A_78 = tpu.memref_slice %arg2[%dma_wait3A_76, %dma_wait3A_77] : memref<1024x1024xf32, #tpu.memory_space<hbm>> -> memref<1024x1024xf32, #tpu.memory_space<hbm>>
    tpu.wait_indirect_dma semaphore(%arg16 : memref<!tpu.dma_semaphore, #tpu.memory_space<semaphore_mem>>) src(%dma_wait3A_78 : memref<1024x1024xf32, #tpu.memory_space<hbm>>) dst(%arg14 : memref<32x1024xf32, #tpu.memory_space<vmem>>)
    %add3A_79 = arith.constant 96 : i32
    %add3A_80 = arith.addi %mul3A_2, %add3A_79 : i32
    %dma_start3A_81 = arith.constant 0 : i32
    %dma_start3A_82 = tpu.memref_slice %arg5[%add3A_80, %dma_start3A_81] : memref<4096x1024xf32, #tpu.memory_space<hbm>> -> memref<32x1024xf32, #tpu.memory_space<hbm>>
    %dma_start3A_83 = arith.constant 0 : i32
    %dma_start3A_84 = tpu.memref_slice %arg5[%add3A_80, %dma_start3A_83] : memref<4096x1024xf32, #tpu.memory_space<hbm>> -> memref<32x1024xf32, #tpu.memory_space<hbm>>
    tpu.enqueue_dma source(%arg14 : memref<32x1024xf32, #tpu.memory_space<vmem>>) target(%dma_start3A_84 : memref<32x1024xf32, #tpu.memory_space<hbm>>) target_semaphore(%arg18 : memref<!tpu.dma_semaphore, #tpu.memory_space<semaphore_mem>>)
    %add3A_85 = arith.constant 96 : i32
    %add3A_86 = arith.addi %mul3A_2, %add3A_85 : i32
    %dma_wait3A_87 = arith.constant 0 : i32
    %dma_wait3A_88 = tpu.memref_slice %arg5[%add3A_86, %dma_wait3A_87] : memref<4096x1024xf32, #tpu.memory_space<hbm>> -> memref<32x1024xf32, #tpu.memory_space<hbm>>
    %dma_wait3A_89 = arith.constant 0 : i32
    %dma_wait3A_90 = tpu.memref_slice %arg5[%add3A_86, %dma_wait3A_89] : memref<4096x1024xf32, #tpu.memory_space<hbm>> -> memref<32x1024xf32, #tpu.memory_space<hbm>>
    tpu.wait_dma2 semaphore(%arg18 : memref<!tpu.dma_semaphore, #tpu.memory_space<semaphore_mem>>) src(%arg14 : memref<32x1024xf32, #tpu.memory_space<vmem>>) dst(%dma_wait3A_90 : memref<32x1024xf32, #tpu.memory_space<hbm>>)
    %dma_wait3A_91 = arith.constant 0 : i32
    %dma_wait3A_92 = tpu.memref_slice %arg6[%mul3A_2, %dma_wait3A_91] : memref<4096x128xf32, #tpu.memory_space<hbm>> -> memref<128x128xf32, #tpu.memory_space<hbm>>
    %dma_wait3A_93 = arith.constant 0 : i32
    %dma_wait3A_94 = tpu.memref_slice %arg6[%mul3A_2, %dma_wait3A_93] : memref<4096x128xf32, #tpu.memory_space<hbm>> -> memref<128x128xf32, #tpu.memory_space<hbm>>
    tpu.wait_dma2 semaphore(%arg19 : memref<!tpu.dma_semaphore, #tpu.memory_space<semaphore_mem>>) src(%arg12 : memref<128x128xf32, #tpu.memory_space<vmem>>) dst(%dma_wait3A_94 : memref<128x128xf32, #tpu.memory_space<hbm>>)
    return
  }
}

module attributes {stable_mosaic.version = 14 : i64} {
  func.func @_proj_body(%arg0: i32, %arg1: memref<4096x1024xf32, #tpu.memory_space<vmem>>, %arg2: memref<4096x128xf32, #tpu.memory_space<vmem>>, %arg3: memref<1024x256xf32, #tpu.memory_space<vmem>>, %arg4: memref<1x256xf32, #tpu.memory_space<vmem>>, %arg5: memref<4096x256xf32, #tpu.memory_space<vmem>>, %arg6: memref<4096x1024xbf16, #tpu.memory_space<vmem>>, %arg7: memref<1024x256xbf16, #tpu.memory_space<vmem>>) attributes {dimension_semantics = [#tpu.dimension_semantics<arbitrary>], iteration_bounds = array<i64: 125>, scalar_prefetch = 0 : i64, scratch_operands = 2 : i64, tpu.core_type = #tpu.core_type<tc>, window_params = [{pipeline_mode = #tpu.pipeline_mode<synchronous>, transform_indices = @transform_0, window_bounds = array<i64: 4096, 1024>}, {pipeline_mode = #tpu.pipeline_mode<synchronous>, transform_indices = @transform_1, window_bounds = array<i64: 4096, 128>}, {transform_indices = @transform_2, window_bounds = array<i64: 1024, 256>}, {transform_indices = @transform_3, window_bounds = array<i64: 1, 256>}, {transform_indices = @transform_4, window_bounds = array<i64: 4096, 256>}]} {
    %eq3A = arith.constant 0 : i32
    %eq3A_0 = arith.cmpi eq, %arg0, %eq3A : i32
    %convert_element_type3A = arith.extui %eq3A_0 : i1 to i32
    %cond3A = arith.constant 0 : i32
    %cond3A_1 = arith.cmpi ne, %convert_element_type3A, %cond3A : i32
    scf.if %cond3A_1 {
      %get3A_21 = arith.constant 0 : index
      %get3A_22 = arith.constant 0 : index
      %get3A_23 = vector.load %arg1[%get3A_21, %get3A_22] : memref<4096x1024xf32, #tpu.memory_space<vmem>>, vector<4096x1024xf32>
      %get3A_24 = arith.constant 0 : index
      %get3A_25 = arith.constant 0 : index
      %get3A_26 = vector.load %arg2[%get3A_24, %get3A_25] : memref<4096x128xf32, #tpu.memory_space<vmem>>, vector<4096x1xf32>
      %add3A_27 = vector.broadcast %get3A_26 : vector<4096x1xf32> to vector<4096x1024xf32>
      %add3A_28 = arith.addf %get3A_23, %add3A_27 : vector<4096x1024xf32>
      %convert_element_type3A_29 = arith.truncf %add3A_28 : vector<4096x1024xf32> to vector<4096x1024xbf16>
      %swap3A_30 = arith.constant 0 : index
      %swap3A_31 = arith.constant 0 : index
      %swap3A_32 = vector.load %arg6[%swap3A_30, %swap3A_31] : memref<4096x1024xbf16, #tpu.memory_space<vmem>>, vector<4096x1024xbf16>
      tpu.vector_store %arg6[%swap3A_30, %swap3A_31], %convert_element_type3A_29 {strides = array<i32>} : memref<4096x1024xbf16, #tpu.memory_space<vmem>>, vector<4096x1024xbf16>,
    } else {
    }
    %get3A = arith.constant 0 : index
    %get3A_2 = arith.constant 0 : index
    %get3A_3 = vector.load %arg3[%get3A, %get3A_2] : memref<1024x256xf32, #tpu.memory_space<vmem>>, vector<1024x256xf32>
    %convert_element_type3A_4 = arith.truncf %get3A_3 : vector<1024x256xf32> to vector<1024x256xbf16>
    %swap3A = arith.constant 0 : index
    %swap3A_5 = arith.constant 0 : index
    %swap3A_6 = vector.load %arg7[%swap3A, %swap3A_5] : memref<1024x256xbf16, #tpu.memory_space<vmem>>, vector<1024x256xbf16>
    tpu.vector_store %arg7[%swap3A, %swap3A_5], %convert_element_type3A_4 {strides = array<i32>} : memref<1024x256xbf16, #tpu.memory_space<vmem>>, vector<1024x256xbf16>,
    %get3A_7 = arith.constant 0 : index
    %get3A_8 = arith.constant 0 : index
    %get3A_9 = vector.load %arg6[%get3A_7, %get3A_8] : memref<4096x1024xbf16, #tpu.memory_space<vmem>>, vector<4096x1024xbf16>
    %get3A_10 = arith.constant 0 : index
    %get3A_11 = arith.constant 0 : index
    %get3A_12 = vector.load %arg7[%get3A_10, %get3A_11] : memref<1024x256xbf16, #tpu.memory_space<vmem>>, vector<1024x256xbf16>
    %dot_general3A = arith.constant dense<0.000000e+00> : vector<4096x256xf32>
    %dot_general3A_13 = tpu.matmul %get3A_9, %get3A_12, %dot_general3A {dimension_numbers = #tpu.dot_dimension_numbers<[1], [0], [0], [1], [0, 0, 1, 1], [], []>, transpose_lhs_hint = false} : vector<4096x1024xbf16>, vector<1024x256xbf16>, vector<4096x256xf32> -> vector<4096x256xf32>
    %get3A_14 = arith.constant 0 : index
    %get3A_15 = arith.constant 0 : index
    %get3A_16 = vector.load %arg4[%get3A_14, %get3A_15] : memref<1x256xf32, #tpu.memory_space<vmem>>, vector<1x256xf32>
    %add3A = vector.broadcast %get3A_16 : vector<1x256xf32> to vector<4096x256xf32>
    %add3A_17 = arith.addf %dot_general3A_13, %add3A : vector<4096x256xf32>
    %swap3A_18 = arith.constant 0 : index
    %swap3A_19 = arith.constant 0 : index
    %swap3A_20 = vector.load %arg5[%swap3A_18, %swap3A_19] : memref<4096x256xf32, #tpu.memory_space<vmem>>, vector<4096x256xf32>
    tpu.vector_store %arg5[%swap3A_18, %swap3A_19], %add3A_17 {strides = array<i32>} : memref<4096x256xf32, #tpu.memory_space<vmem>>, vector<4096x256xf32>,
    return
  }
  func.func @transform_0(%arg0: i32) -> (i32, i32) {
    %c0_i32 = arith.constant 0 : i32
    %c0_i32_0 = arith.constant 0 : i32
    %c0_i32_1 = arith.constant 0 : i32
    return %c0_i32, %c0_i32_0 : i32, i32
  }
  func.func @transform_1(%arg0: i32) -> (i32, i32) {
    %c0_i32 = arith.constant 0 : i32
    %c0_i32_0 = arith.constant 0 : i32
    %c0_i32_1 = arith.constant 0 : i32
    return %c0_i32, %c0_i32_0 : i32, i32
  }
  func.func @transform_2(%arg0: i32) -> (i32, i32) {
    %c0_i32 = arith.constant 0 : i32
    %c0_i32_0 = arith.constant 0 : i32
    return %c0_i32, %arg0 : i32, i32
  }
  func.func @transform_3(%arg0: i32) -> (i32, i32) {
    %c0_i32 = arith.constant 0 : i32
    %c0_i32_0 = arith.constant 0 : i32
    return %c0_i32, %arg0 : i32, i32
  }
  func.func @transform_4(%arg0: i32) -> (i32, i32) {
    %c0_i32 = arith.constant 0 : i32
    %c0_i32_0 = arith.constant 0 : i32
    return %c0_i32, %arg0 : i32, i32
  }
}

</mosaic_0001>

<sc_bundles>
// kernel: kernel.4.cloned.1.call-start
scs
__scs_entry_jumppad:
0x0: {  	(pc) =	sbr.rel $0x88, $3  }
0x1: {  	(tag) =	ssettag $0x0;
	lr =	simm.s32 $0x1  }
0x2: {  	[smem:$0x3F9C] =	sst lr;
	_ =	strace $0xD0000000  }
0x3: {  	_ = 	snop  }
0x4: {  	_ = 	snop  }
0x5: {  	_ = 	snop  }
0x6: {  	_ = 	snop  }
0x7: {  	_ = 	snop  }
__scs_overlays_trampoline_lowered:
0x8: {  	[smem:$0x3FAB] =	sst s0  }
0x9: {  	[smem:$0x3FAC] =	sst s1  }
0xa: {  	[smem:$0x3FAD] =	sst s2  }
0xb: {  	[smem:$0x3FAE] =	sst s3  }
0xc: {  	[smem:$0x3FAF] =	sst s4  }
0xd: {  	[smem:$0x3FB0] =	sst s5  }
0xe: {  	[smem:$0x3FB1] =	sst s6  }
0xf: {  	[smem:$0x3FB2] =	sst s7  }
0x10: {  	[smem:$0x3FB3] =	sst s8  }
0x11: {  	[smem:$0x3FB4] =	sst s9;
	s0 =	simm.s32 @!p0 $0x0  }
0x12: {  	s1 =	sld [smem:$0x3F9A];
	s0 =	simm.s32 @p0 $0x1  }
0x13: {  	[smem:$0x3FB5] =	sst s0;
	s0 =	simm.s32 @!p1 $0x0  }
0x14: {  	s2 =	sld [smem:$0x3F99];
	s0 =	simm.s32 @p1 $0x1  }
0x15: {  	[smem:$0x3FB6] =	sst s0;
	s0 =	simm.s32 @!p2 $0x0  }
0x16: {  	s3 =	sld [smem:$0x3FDB];
	s0 =	simm.s32 @p2 $0x1  }
0x17: {  	s4 =	simm.s32 $0x1BF5;
	[smem:$0x3FB8] =	sst s0  }
0x18: {  	s0 =	sld [smem:$0x3F9B];
	_ =	swait.ge [sflag:s4], $0x0  }
0x19: {  	s7 =	sld [smem:$0x3F9C]  }
0x1a: {  	s8 =	sadd.s32 $0xFFFFE003, lr  }
0x1b: {  	s9 =	sadd.s32 $0xFFFFFEF7, lr;
	s5 =	simm.s32 $0xFFFFFFFF;
	p2 =	slt.u32 s8, $0xFFFFF086  }
0x1c: {  	p1 =	slt.u32 s9, $0xF7A;
	s5 =	simm.s32 @!p2 $0x0  }
0x1d: {  	s5 =	simm.s32 @p1 $0x1;
	p0 =	seq.s32 s7, s2  }
0x1e: {  	s7 =	smul.u32 @!p0 $0xF7A, s2;
	p2 =	seq.s32 @!p0 s5, $0x0  }
0x1f: {  	s9 =	smul.u32 $0xF7A, s1;
	s8 =	simm.s32 @!p0 $0x1BF5;
	p2 =	por !p2, p0  }
0x20: {  	[sflag:s8] =	ssyncset.s32 @!p0 $0xFFFFF086;
	s6 =	sadd.s32 @!p0 s3, s7;
	s7 =	simm.s32 @!p0 $0x108  }
0x21: {  	s3 =	sadd.s32 s3, s9;
	s6 =	sadd.s32 @!p0 $0x88, s6;
	s7 =	simm.s32 @p2 $0x1082  }
0x22: {  	[simem:s7], [sflag:s8] =	dma.local @!p0 [hbm:s6], $0xF7A  }
0x23: {  	s9 =	sor.u32 $0xD0000000, s2;
	s6 =	simm.s32 $0x108;
	_ =	swait.ge @!p0 [sflag:s8], $0x0  }
0x24: {  	s3 =	sadd.s32 $0x88, s3;
	s6 =	simm.s32 @!p1 $0x1082;
	[sflag:s4] =	ssyncset.s32 $0xFFFFF086  }
0x25: {  	[simem:s6], [sflag:s4] =	dma.local [hbm:s3], $0xF7A  }
0x26: {  	[smem:$0x3F9C] =	sst s1;
	(tag) =	ssettag s2;
	_ =	strace s9  }
0x27: {  	s1 =	sld [smem:$0x3FAC]  }
0x28: {  	s2 =	sld [smem:$0x3FAD]  }
0x29: {  	s4 =	sld [smem:$0x3FAF]  }
0x2a: {  	p0 =	seq.s32 s5, $0x0;
	s5 =	sld [smem:$0x3FB0]  }
0x2b: {  	s6 =	sld [smem:$0x3FB1]  }
0x2c: {  	s7 =	sld [smem:$0x3FB2]  }
0x2d: {  	s3 =	simm.s32 $0x108;
	s8 =	sld [smem:$0x3FB3]  }
0x2e: {  	s3 =	simm.s32 @!p0 $0x1082;
	s9 =	sld [smem:$0x3FB4]  }
0x2f: {  	lr =	sadd.s32 s0, s3;
	s0 =	sld [smem:$0x3FAB]  }
0x30: {  	s3 =	sld [smem:$0x3FAE]  }
0x31: {  	[smem:$0x3FB7] =	sst s10  }
0x32: {  	s10 =	sld [smem:$0x3FB5];
	_ =	sdelay $0x3  }
0x33: {  	p0 =	seq.s32 s10, $0x1;
	s10 =	sld [smem:$0x3FB7];
	_ =	sdelay $0x3  }
0x34: {  	[smem:$0x3FB7] =	sst s10  }
0x35: {  	s10 =	sld [smem:$0x3FB6];
	_ =	sdelay $0x3  }
0x36: {  	p1 =	seq.s32 s10, $0x1;
	s10 =	sld [smem:$0x3FB7];
	_ =	sdelay $0x3  }
0x37: {  	[smem:$0x3FB7] =	sst s10  }
0x38: {  	s10 =	sld [smem:$0x3FB8]  }
0x39: {  	_ = 	snop;
	(pc) =	sbr.ind lr, $3  }
0x3a: {  	_ = 	snop  }
0x3b: {  	_ = 	snop  }
0x3c: {  	p2 =	seq.s32 s10, $0x1;
	s10 =	sld [smem:$0x3FB7]  }
0x3d: {  	_ =	shalt  }
0x3e: {  	_ =	shalt  }
0x3f: {  	_ =	shalt  }
0x40: {  	_ =	shalt  }
0x41: {  	_ =	shalt  }
0x42: {  	_ =	shalt  }
0x43: {  	_ =	shalt  }
0x44: {  	_ =	shalt  }
0x45: {  	_ =	shalt  }
0x46: {  	_ =	shalt  }
0x47: {  	_ =	shalt  }
0x48: {  	_ =	shalt  }
0x49: {  	_ =	shalt  }
0x4a: {  	_ =	shalt  }
0x4b: {  	_ =	shalt  }
0x4c: {  	_ =	shalt  }
0x4d: {  	_ =	shalt  }
0x4e: {  	_ =	shalt  }
0x4f: {  	_ =	shalt  }
0x50: {  	_ =	shalt  }
0x51: {  	_ =	shalt  }
0x52: {  	_ =	shalt  }
0x53: {  	_ =	shalt  }
0x54: {  	_ =	shalt  }
0x55: {  	_ =	shalt  }
0x56: {  	_ =	shalt  }
0x57: {  	_ =	shalt  }
0x58: {  	_ =	shalt  }
0x59: {  	_ =	shalt  }
0x5a: {  	_ =	shalt  }
0x5b: {  	_ =	shalt  }
0x5c: {  	_ =	shalt  }
0x5d: {  	_ =	shalt  }
0x5e: {  	_ =	shalt  }
0x5f: {  	_ =	shalt  }
0x60: {  	_ =	shalt  }
0x61: {  	_ =	shalt  }
0x62: {  	_ =	shalt  }
0x63: {  	_ =	shalt  }
0x64: {  	_ =	shalt  }
0x65: {  	_ =	shalt  }
0x66: {  	_ =	shalt  }
0x67: {  	_ =	shalt  }
0x68: {  	_ =	shalt  }
0x69: {  	_ =	shalt  }
0x6a: {  	_ =	shalt  }
0x6b: {  	_ =	shalt  }
0x6c: {  	_ =	shalt  }
0x6d: {  	_ =	shalt  }
0x6e: {  	_ =	shalt  }
0x6f: {  	_ =	shalt  }
0x70: {  	_ =	shalt  }
0x71: {  	_ =	shalt  }
0x72: {  	_ =	shalt  }
0x73: {  	_ =	shalt  }
0x74: {  	_ =	shalt  }
0x75: {  	_ =	shalt  }
0x76: {  	_ =	shalt  }
0x77: {  	_ =	shalt  }
0x78: {  	_ =	shalt  }
0x79: {  	_ =	shalt  }
0x7a: {  	_ =	shalt  }
0x7b: {  	_ =	shalt  }
0x7c: {  	_ =	shalt  }
0x7d: {  	_ =	shalt  }
0x7e: {  	_ =	shalt  }
0x7f: {  	_ =	shalt  }
0x80: {  	_ =	shalt  }
0x81: {  	_ =	shalt  }
0x82: {  	_ =	shalt  }
0x83: {  	_ =	shalt  }
0x84: {  	_ =	shalt  }
0x85: {  	_ =	shalt  }
0x86: {  	_ =	shalt  }
0x87: {  	_ =	shalt  }
.Lfunc_end0:
.L_simem_size_0:
called_computation_lowered:
.L_overlay_start_0:
0x88: {  	s2 =	sld [smem:$0x3FD9]  }
0x89: {  	s3 =	sld [smem:$0x3FFE];
	_ =	sdelay $0x1  }
0x8a: {  	s1 =	srdreg.scid  }
0x8b: {  	s0 =	sand.u32 $0x1, s1  }
0x8c: {  	s17 =	sshll.u32 s0, $0xA;
	s2 =	sadd.s32 s3, s2  }
0x8d: {  	s2 =	sadd.s32 s2, s17  }
0x8e: {  	[smem:$0x3FC3] =	sst s2  }
0x8f: {  	_ = 	snop  }
0x90: {  	s2 =	sld [smem:$0x3FC8]  }
0x91: {  	s18 =	sld [smem:$0x3FD0];
	(tm) =	ssettm $0x1  }
0x92: {  	s4 =	sld [smem:$0x3FFB];
	_ =	sdelay $0x3  }
0x93: {  	_ =	strace s4  }
0x94: {  	s4 =	sld [smem:$0x3FFC];
	_ =	sdelay $0x3  }
0x95: {  	_ =	strace s4  }
0x96: {  	s4 =	sld [smem:$0x3FFD];
	_ =	sdelay $0x3  }
0x97: {  	_ =	strace s4  }
0x98: {  	_ =	strace $0x8FFFFFFF  }
0x99: {  	s19 =	sld [smem:$0x3FDB];
	_ =	sdelay $0x1  }
0x9a: {  	s5 =	simm.s32 $_scs_section_size  }
0x9b: {  	s6 =	simm.s32 $_size__tile_overlayer_lowered;
	s7 =	simm.s32 $_tile_overlayer_lowered  }
0x9c: {  	s22 =	simm.s32 $0x1BFF;
	s21 =	sshll.u32 s7, $0x1;
	s4 =	sadd.s32 s5, s19  }
0x9d: {  	s8 =	simm.s32 $0x0;
	s20 =	sshll.u32 s6, $0x1;
	s6 =	sadd.s32 s21, s4  }
0x9e: {  	[timem:s8], [sflag:s22] =	dma.local [hbm:s6], s20  }
0x9f: {  	_ =	swait.ge [sflag:s22], s20  }
0xa0: {  	s5 =	ssub.s32 $0x0, s20;
	[sflag:s22] =	ssyncset.done $0x0  }
0xa1: {  	[sflag:s22] =	ssyncadd.s32 s5;
	_ =	sdelay $0x1  }
0xa2: {  	s23 =	simm.s32 $0x1B8B  }
0xa3: {  	_ =	swait.ge [sflag:s23], $0x1  }
0xa4: {  	[sflag:s23] =	ssyncset.done $0x0  }
0xa5: {  	s25 =	simm.s32 $0x1B8E;
	s24 =	sld [smem:$0x3FFE];
	[sflag:s23] =	ssyncadd.s32 $0xFFFFFFFF  }
0xa6: {  	s26 =	simm.s32 $execute0_lowered;
	[smem:$0x3FD2] =	sst s25  }
0xa7: {  	s6 =	sshll.u32 s26, $0x1;
	_ =	strace $0x80000046;
	[dreg:$0x1] =	wrdreg $0xFFFFFFFF  }
0xa8: {  	s28 =	simm.s32 $_size_execute0_lowered;
	s4 =	sadd.s32 s4, s6;
	[dreg:$0x0] =	wrdreg $0x0  }
0xa9: {  	s6 =	sshll.u32 s28, $0x1;
	[dreg:$0x2] =	wrdreg s4  }
0xaa: {  	[dreg:$0x3] =	wrdreg s6  }
0xab: {  	[dreg:$0x4] =	wrdreg $0xC0  }
0xac: {  	_ =	task [dreg:s8], $0x5FFFF  }
0xad: {  	[dreg:$0x1] =	wrdreg $0xFFFFFFFF  }
0xae: {  	[dreg:$0x0] =	wrdreg $0x60  }
0xaf: {  	[dreg:$0x2] =	wrdreg s2  }
0xb0: {  	[dreg:$0x3] =	wrdreg s24  }
0xb1: {  	[dreg:$0x4] =	wrdreg s18  }
0xb2: {  	[dreg:$0x5] =	wrdreg $0x9  }
0xb3: {  	_ =	task.clear_ibuf [dreg:s8], $0x6FFFF;
	_ =	strace $0x90000046  }
0xb4: {  	s29 =	simm.s32 $0x9;
	_ =	strace $0x80000048  }
0xb5: {  	_ =	swait.ge [sflag:s29], $0x1  }
0xb6: {  	[sflag:s29] =	ssyncadd.s32 $0xFFFFFFFF  }
0xb7: {  	_ =	strace $0x90000048  }
0xb8: {  	_ =	sfence  }
0xb9: {  	s30 =	sld [smem:$0x0];
	_ =	sdelay $0x2  }
0xba: {  	s31 =	sshll.u32 s1, $0xD;
	s1 =	sshrl.u32 s1, $0x2  }
0xbb: {  	s3 =	sand.u32 $0x4000, s31;
	s1 =	sadd.s32 s1, s30  }
0xbc: {  	s0 =	sor.u32 s3, s0;
	s1 =	sshll.u32 s1, $0x11  }
0xbd: {  	s0 =	sor.u32 s1, s0  }
0xbe: {  	s0 =	sadd.s32 $0x8F2B, s0  }
0xbf: {  	[sflag:s0] =	ssyncadd.remote.s32 $0x1  }
0xc0: {  	_ =	sfence.sel $0xFFFF  }
0xc1: {  	[dreg:$0x0] =	wrdreg $0xFFFFFFFF;
	(pc) =	sbr.abs _section_cstart, $3  }
0xc2: {  	[dreg:$0x1] =	wrdreg $0xFFFFFFFF  }
0xc3: {  	_ =	task.clear_ibuf [dreg:s8], $0x2FFFF;
	_ =	strace $0x9FFFFFFF  }
0xc4: {  	(tm) =	ssettm $0x7FFFFFFF  }
0xc5: {  	_ =	shalt  }
tec
execute0_lowered:
.L_overlay_start_1:
0x0: {  	(tag) =	ssettag $0x1  }
0x1: {  	s13 =	rddreg [dreg:$0x0]  }
0x2: {  	s0 =	rddreg [dreg:$0x1]  }
0x3: {  	s2 =	rddreg [dreg:$0x2]  }
0x4: {  	s3 =	simm.s32 $0x0;
	s4 =	srdreg.scid;
	s6 =	stileid.u32  }
0x5: {  	s26 =	simm.s32 $0x100;
	s29 =	simm.s32 $0x180;
	s31 =	simm.s32 $0x200  }
0x6: {  	s30 =	simm.s32 $0x4280;
	s28 =	simm.s32 $0xEA80;
	s1 =	simm.s32 $0x3  }
0x7: {  	[smem:$0x7FF] =	sst s3;
	s4 =	sand.u32 $0x1, s4;
	s5 =	sadd.s32 $0xE00, s0  }
0x8: {  	s6 =	sshll.u32 s6, $0x8;
	_ =	strace $0x80000047;
	[dreg:$0x4] =	wrdreg s5  }
0x9: {  	s14 =	sadd.s32 $0xC00, s0;
	s7 =	sshll.u32 s4, $0x7;
	[dreg:$0xd] =	wrdreg s26  }
0xa: {  	s4 =	ssub.s32 $0x2, s4;
	s5 =	sadd.s32 $0x100, s13;
	[dreg:$0xe] =	wrdreg s29  }
0xb: {  	[dreg:$0xf] =	wrdreg s31;
	s26 =	simm.s32 $0xE280;
	s6 =	sor.u32 s7, s6  }
0xc: {  	s15 =	sshrl.u32 s4, $0x1;
	s7 =	sshll.u32 s6, $0x4;
	s8 =	sor.u32 $0x20, s6  }
0xd: {  	s9 =	ssub.s32 s4, s15;
	s17 =	sor.u32 $0x40, s6;
	s11 =	sor.u32 $0x60, s6  }
0xe: {  	s12 =	sshrl.u32 s6, $0x3;
	s21 =	sshll.u32 s6, $0x7;
	s6 =	sadd.s32 $0x200, s13  }
0xf: {  	s15 =	simm.s32 $0x7A80;
	s0 =	sadd.s32 s7, s0;
	s16 =	sshrl.u32 s8, $0x3  }
0x10: {  	s10 =	sshrl.u32 s17, $0x3;
	s19 =	sshrl.u32 s11, $0x3;
	s20 =	sadd.s32 s14, s12  }
0x11: {  	s8 =	sshll.u32 s8, $0x7;
	s7 =	sshll.u32 s17, $0x7;
	s24 =	sshll.u32 s11, $0x7  }
0x12: {  	s11 =	simm.s32 $0x6A80;
	s17 =	simm.s32 $0x8A80;
	s12 =	simm.s32 $0xC280  }
0x13: {  	s4 =	sadd.s32 s14, s16;
	s18 =	sadd.s32 s14, s10;
	[dreg:$0x10] =	wrdreg s20  }
0x14: {  	s10 =	sadd.s32 s14, s19;
	s0 =	sadd.s32 $0x4E00, s0;
	[dreg:$0x5] =	wrdreg s4  }
0x15: {  	s22 =	sadd.s32 s2, s8;
	s23 =	sadd.s32 s2, s7;
	[dreg:$0x6] =	wrdreg s18  }
0x16: {  	s7 =	sadd.s32 $0x300, s13;
	s25 =	sadd.s32 s2, s24;
	[dreg:$0x7] =	wrdreg s10  }
0x17: {  	s8 =	smax.u32 s9, $0x1;
	s9 =	simm.s32 $0x6;
	[dreg:$0x8] =	wrdreg s0  }
0x18: {  	s24 =	simm.s32 $0x5;
	s14 =	simm.s32 $0x7280;
	[dreg:$0xa] =	wrdreg s22  }
0x19: {  	s16 =	simm.s32 $0x8280;
	s19 =	simm.s32 $0x9A80;
	[dreg:$0xb] =	wrdreg s23  }
0x1a: {  	v2 =	vlaneseq.u32;
	s20 =	simm.s32 $0xA280;
	s0 =	sadd.s32 s2, s21;
	[dreg:$0xc] =	wrdreg s25  }
0x1b: {  	vm0 =	vmmov $0xffff;
	v1 =	vshrl.u32 v2, $0x3;
	s18 =	simm.s32 $0x9280;
	s21 =	simm.s32 $0xAA80;
	s22 =	simm.s32 $0xB280  }
0x1c: {  	v0 =	vand.u32 $0x7, v2;
	v2 =	vor.u32 $0x8, v2;
	v1 =	vmul.u32 $0x8, v1;
	s23 =	simm.s32 $0xBA80;
	s25 =	simm.s32 $0xDA80;
	[dreg:$0x9] =	wrdreg s0  }
.LBB2_1:
0x1d: {  	s2 =	rddreg [dreg:$0x10]  }
0x1e: {  	[tilespmem:s3], [sflag:$0x6] =	stream.linear.gather [hbm4b:s2+s3], $0x80, $0x38;
	[tilespmem:$0x14280] =	vst v63  }
0x1f: {  	_ =	swait.ge [sflag:s9], $0x80  }
0x20: {  	[sflag:s9] =	ssyncset.done $0x0  }
0x21: {  	s0 =	simm.s32 $0x80;
	[sflag:s9] =	ssyncadd.s32 $0xFFFFFF80  }
0x22: {  	[tilespmem:s0], [sflag:$0x6] =	stream.linear.gather [hbm4b:s2+s3], $0x20, $0x38;
	[tilespmem:$0x14280] =	vst v63  }
0x23: {  	_ =	swait.ge [sflag:s9], $0x20  }
0x24: {  	s29 =	rddreg [dreg:$0x5];
	[sflag:s9] =	ssyncset.done $0x0  }
0x25: {  	s31 =	rddreg [dreg:$0xd];
	[sflag:s9] =	ssyncadd.s32 $0xFFFFFFE0  }
0x26: {  	[tilespmem:s31], [sflag:$0x6] =	stream.linear.gather [hbm4b:s29+s3], $0x20, $0x38;
	[tilespmem:$0x14280] =	vst v63  }
0x27: {  	_ =	swait.ge [sflag:s9], $0x20  }
0x28: {  	s10 =	rddreg [dreg:$0x6];
	[sflag:s9] =	ssyncset.done $0x0  }
0x29: {  	s2 =	rddreg [dreg:$0xe];
	[sflag:s9] =	ssyncadd.s32 $0xFFFFFFE0  }
0x2a: {  	[tilespmem:s2], [sflag:$0x6] =	stream.linear.gather [hbm4b:s10+s3], $0x20, $0x38;
	[tilespmem:$0x14280] =	vst v63  }
0x2b: {  	_ =	swait.ge [sflag:s9], $0x20  }
0x2c: {  	s4 =	rddreg [dreg:$0x7];
	[sflag:s9] =	ssyncset.done $0x0  }
0x2d: {  	s10 =	rddreg [dreg:$0xf];
	[sflag:s9] =	ssyncadd.s32 $0xFFFFFFE0  }
0x2e: {  	[tilespmem:s10], [sflag:$0x6] =	stream.linear.gather [hbm4b:s4+s3], $0x20, $0x38;
	[tilespmem:$0x14280] =	vst v63  }
0x2f: {  	_ =	swait.ge [sflag:s9], $0x20  }
0x30: {  	[sflag:s9] =	ssyncset.done $0x0  }
0x31: {  	s4 =	simm.s32 $0x280;
	s2 =	rddreg [dreg:$0x4];
	[sflag:s9] =	ssyncadd.s32 $0xFFFFFFE0  }
0x32: {  	[tilespmem:s4], [sflag:$0x5] =	stream.indirect.gather [hbm4b:s2+s0], $0x80, s3, s0, $0xb8;
	[tilespmem:$0x14280] =	vst v63  }
0x33: {  	_ =	swait.ge [sflag:s24], $0x4000  }
0x34: {  	[sflag:s24] =	ssyncset.done $0x0  }
0x35: {  	s10 =	rddreg [dreg:$0x8];
	[sflag:s24] =	ssyncadd.s32 $0xFFFFC000  }
0x36: {  	[hbm4b:s10+s3] =	stream.linear.scatter [tilespmem:s4], [sflag:$0x5], $0x4000, $0x38;
	[tilespmem:$0x14280] =	vst v63  }
0x37: {  	v3 =	vld [tilespmem:$0x80];
	_ =	sdelay $0x4  }
0x38: {  	v4 =	vshll.u32 v3, $0x3  }
0x39: {  	v3 =	vand.u32 $0x7, v3;
	v4 =	vand.u32 $0xFFFFFFC0, v4  }
0x3a: {  	v3 =	vor.u32 v3, v4  }
0x3b: {  	v4 =	vperm.xlane v3, v0;
	_ =	sdelay $0x1  }
0x3c: {  	v4 =	vadd.s32 v1, v4;
	_ =	sdelay $0x4  }
0x3d: {  	[tilespmem:s30], [sflag:$0x1] =	stream.indirect_vreg.gather [hbm4b:s13+s3], $0x80, v4, vm0, $0xb8;
	[tilespmem:$0x14280] =	vst v63  }
0x3e: {  	s4 =	simm.s32 $0x4A80;
	v3 =	vperm.xlane v3, v2  }
0x3f: {  	[tilespmem:s4], [sflag:$0x1] =	stream.indirect_vreg.gather [hbm4b:s5+s3], $0x80, v4, vm0, $0xb8;
	[tilespmem:$0x14280] =	vst v63  }
0x40: {  	s31 =	simm.s32 $0x5280;
	v3 =	vadd.s32 v1, v3  }
0x41: {  	[tilespmem:s31], [sflag:$0x1] =	stream.indirect_vreg.gather [hbm4b:s6+s3], $0x80, v4, vm0, $0xb8;
	[tilespmem:$0x14280] =	vst v63  }
0x42: {  	s2 =	simm.s32 $0x5A80  }
0x43: {  	[tilespmem:s2], [sflag:$0x1] =	stream.indirect_vreg.gather [hbm4b:s7+s3], $0x80, v4, vm0, $0xb8;
	[tilespmem:$0x14280] =	vst v63  }
0x44: {  	s10 =	simm.s32 $0x6280  }
0x45: {  	[tilespmem:s10], [sflag:$0x1] =	stream.indirect_vreg.gather [hbm4b:s13+s3], $0x80, v3, vm0, $0xb8;
	[tilespmem:$0x14280] =	vst v63  }
0x46: {  	_ = 	snop  }
0x47: {  	[tilespmem:s11], [sflag:$0x1] =	stream.indirect_vreg.gather [hbm4b:s5+s3], $0x80, v3, vm0, $0xb8;
	[tilespmem:$0x14280] =	vst v63  }
0x48: {  	_ = 	snop  }
0x49: {  	[tilespmem:s14], [sflag:$0x1] =	stream.indirect_vreg.gather [hbm4b:s6+s3], $0x80, v3, vm0, $0xb8;
	[tilespmem:$0x14280] =	vst v63  }
0x4a: {  	_ = 	snop  }
0x4b: {  	[tilespmem:s15], [sflag:$0x1] =	stream.indirect_vreg.gather [hbm4b:s7+s3], $0x80, v3, vm0, $0xb8;
	[tilespmem:$0x14280] =	vst v63  }
0x4c: {  	v3 =	vld [tilespmem:$0x90];
	_ =	sdelay $0x4  }
0x4d: {  	v57 =	vshll.u32 v3, $0x3  }
0x4e: {  	v3 =	vand.u32 $0x7, v3;
	v4 =	vand.u32 $0xFFFFFFC0, v57  }
0x4f: {  	v3 =	vor.u32 v3, v4  }
0x50: {  	v4 =	vperm.xlane v3, v0;
	_ =	sdelay $0x1  }
0x51: {  	v4 =	vadd.s32 v1, v4;
	_ =	sdelay $0x4  }
0x52: {  	[tilespmem:s16], [sflag:$0x1] =	stream.indirect_vreg.gather [hbm4b:s13+s3], $0x80, v4, vm0, $0xb8;
	[tilespmem:$0x14280] =	vst v63  }
0x53: {  	v3 =	vperm.xlane v3, v2  }
0x54: {  	[tilespmem:s17], [sflag:$0x1] =	stream.indirect_vreg.gather [hbm4b:s5+s3], $0x80, v4, vm0, $0xb8;
	[tilespmem:$0x14280] =	vst v63  }
0x55: {  	v3 =	vadd.s32 v1, v3  }
0x56: {  	[tilespmem:s18], [sflag:$0x1] =	stream.indirect_vreg.gather [hbm4b:s6+s3], $0x80, v4, vm0, $0xb8;
	[tilespmem:$0x14280] =	vst v63  }
0x57: {  	_ = 	snop  }
0x58: {  	[tilespmem:s19], [sflag:$0x1] =	stream.indirect_vreg.gather [hbm4b:s7+s3], $0x80, v4, vm0, $0xb8;
	[tilespmem:$0x14280] =	vst v63  }
0x59: {  	_ = 	snop  }
0x5a: {  	[tilespmem:s20], [sflag:$0x1] =	stream.indirect_vreg.gather [hbm4b:s13+s3], $0x80, v3, vm0, $0xb8;
	[tilespmem:$0x14280] =	vst v63  }
0x5b: {  	_ = 	snop  }
0x5c: {  	[tilespmem:s21], [sflag:$0x1] =	stream.indirect_vreg.gather [hbm4b:s5+s3], $0x80, v3, vm0, $0xb8;
	[tilespmem:$0x14280] =	vst v63  }
0x5d: {  	_ = 	snop  }
0x5e: {  	[tilespmem:s22], [sflag:$0x1] =	stream.indirect_vreg.gather [hbm4b:s6+s3], $0x80, v3, vm0, $0xb8;
	[tilespmem:$0x14280] =	vst v63  }
0x5f: {  	_ = 	snop  }
0x60: {  	[tilespmem:s23], [sflag:$0x1] =	stream.indirect_vreg.gather [hbm4b:s7+s3], $0x80, v3, vm0, $0xb8;
	[tilespmem:$0x14280] =	vst v63  }
0x61: {  	v3 =	vld [tilespmem:$0x100];
	_ =	sdelay $0x4  }
0x62: {  	v58 =	vshll.u32 v3, $0x3  }
0x63: {  	v3 =	vand.u32 $0x7, v3;
	v4 =	vand.u32 $0xFFFFFFC0, v58  }
0x64: {  	v3 =	vor.u32 v3, v4  }
0x65: {  	v4 =	vperm.xlane v3, v0;
	_ =	sdelay $0x1  }
0x66: {  	v4 =	vadd.s32 v1, v4;
	_ =	sdelay $0x4  }
0x67: {  	[tilespmem:s12], [sflag:$0x2] =	stream.indirect_vreg.gather [hbm4b:s13+s3], $0x80, v4, vm0, $0xb8;
	[tilespmem:$0x14280] =	vst v63  }
0x68: {  	s29 =	simm.s32 $0xCA80;
	v3 =	vperm.xlane v3, v2  }
0x69: {  	[tilespmem:s29], [sflag:$0x2] =	stream.indirect_vreg.gather [hbm4b:s5+s3], $0x80, v4, vm0, $0xb8;
	[tilespmem:$0x14280] =	vst v63  }
0x6a: {  	v3 =	vadd.s32 v1, v3;
	s29 =	simm.s32 $0xD280  }
0x6b: {  	[tilespmem:s29], [sflag:$0x2] =	stream.indirect_vreg.gather [hbm4b:s6+s3], $0x80, v4, vm0, $0xb8;
	[tilespmem:$0x14280] =	vst v63  }
0x6c: {  	_ = 	snop  }
0x6d: {  	[tilespmem:s25], [sflag:$0x2] =	stream.indirect_vreg.gather [hbm4b:s7+s3], $0x80, v4, vm0, $0xb8;
	[tilespmem:$0x14280] =	vst v63  }
0x6e: {  	_ = 	snop  }
0x6f: {  	[tilespmem:s26], [sflag:$0x2] =	stream.indirect_vreg.gather [hbm4b:s13+s3], $0x80, v3, vm0, $0xb8;
	[tilespmem:$0x14280] =	vst v63  }
0x70: {  	_ = 	snop  }
0x71: {  	[tilespmem:s28], [sflag:$0x2] =	stream.indirect_vreg.gather [hbm4b:s5+s3], $0x80, v3, vm0, $0xb8;
	[tilespmem:$0x14280] =	vst v63  }
0x72: {  	s29 =	simm.s32 $0xF280  }
0x73: {  	[tilespmem:s29], [sflag:$0x2] =	stream.indirect_vreg.gather [hbm4b:s6+s3], $0x80, v3, vm0, $0xb8;
	[tilespmem:$0x14280] =	vst v63  }
0x74: {  	s29 =	simm.s32 $0xFA80  }
0x75: {  	[tilespmem:s29], [sflag:$0x2] =	stream.indirect_vreg.gather [hbm4b:s7+s3], $0x80, v3, vm0, $0xb8;
	[tilespmem:$0x14280] =	vst v63  }
0x76: {  	v3 =	vld [tilespmem:$0x110];
	_ =	sdelay $0x4  }
0x77: {  	v59 =	vshll.u32 v3, $0x3  }
0x78: {  	v3 =	vand.u32 $0x7, v3;
	v4 =	vand.u32 $0xFFFFFFC0, v59  }
0x79: {  	v3 =	vor.u32 v3, v4  }
0x7a: {  	v4 =	vperm.xlane v3, v0;
	_ =	sdelay $0x1  }
0x7b: {  	v4 =	vadd.s32 v1, v4;
	_ =	sdelay $0x3  }
0x7c: {  	s29 =	simm.s32 $0x10280  }
0x7d: {  	[tilespmem:s29], [sflag:$0x2] =	stream.indirect_vreg.gather [hbm4b:s13+s3], $0x80, v4, vm0, $0xb8;
	[tilespmem:$0x14280] =	vst v63  }
0x7e: {  	v3 =	vperm.xlane v3, v2;
	s29 =	simm.s32 $0x10A80  }
0x7f: {  	[tilespmem:s29], [sflag:$0x2] =	stream.indirect_vreg.gather [hbm4b:s5+s3], $0x80, v4, vm0, $0xb8;
	[tilespmem:$0x14280] =	vst v63  }
0x80: {  	v3 =	vadd.s32 v1, v3;
	s29 =	simm.s32 $0x11280  }
0x81: {  	[tilespmem:s29], [sflag:$0x2] =	stream.indirect_vreg.gather [hbm4b:s6+s3], $0x80, v4, vm0, $0xb8;
	[tilespmem:$0x14280] =	vst v63  }
0x82: {  	s29 =	simm.s32 $0x11A80  }
0x83: {  	[tilespmem:s29], [sflag:$0x2] =	stream.indirect_vreg.gather [hbm4b:s7+s3], $0x80, v4, vm0, $0xb8;
	[tilespmem:$0x14280] =	vst v63  }
0x84: {  	s29 =	simm.s32 $0x12280  }
0x85: {  	[tilespmem:s29], [sflag:$0x2] =	stream.indirect_vreg.gather [hbm4b:s13+s3], $0x80, v3, vm0, $0xb8;
	[tilespmem:$0x14280] =	vst v63  }
0x86: {  	s29 =	simm.s32 $0x12A80  }
0x87: {  	[tilespmem:s29], [sflag:$0x2] =	stream.indirect_vreg.gather [hbm4b:s5+s3], $0x80, v3, vm0, $0xb8;
	[tilespmem:$0x14280] =	vst v63  }
0x88: {  	s29 =	simm.s32 $0x13280  }
0x89: {  	[tilespmem:s29], [sflag:$0x2] =	stream.indirect_vreg.gather [hbm4b:s6+s3], $0x80, v3, vm0, $0xb8;
	[tilespmem:$0x14280] =	vst v63  }
0x8a: {  	s0 =	simm.s32 $0x1;
	s29 =	simm.s32 $0x13A80  }
0x8b: {  	[tilespmem:s29], [sflag:$0x2] =	stream.indirect_vreg.gather [hbm4b:s7+s3], $0x80, v3, vm0, $0xb8;
	[tilespmem:$0x14280] =	vst v63  }
0x8c: {  	_ =	swait.ge [sflag:s0], $0x8000  }
0x8d: {  	[sflag:s0] =	ssyncset.done $0x0  }
0x8e: {  	s29 =	rddreg [dreg:$0x9];
	[sflag:s0] =	ssyncadd.s32 $0xFFFF8000  }
0x8f: {  	[hbm4b:s29+s3] =	stream.linear.scatter [tilespmem:s30], [sflag:$0x3], $0x8000, $0x38;
	[tilespmem:$0x14280] =	vst v63  }
0x90: {  	_ =	swait.ge [sflag:s1], $0x8000  }
0x91: {  	[sflag:s1] =	ssyncset.done $0x0  }
0x92: {  	[sflag:s1] =	ssyncadd.s32 $0xFFFF8000  }
0x93: {  	v3 =	vld [tilespmem:$0x180];
	_ =	sdelay $0x4  }
0x94: {  	v60 =	vshll.u32 v3, $0x3  }
0x95: {  	v3 =	vand.u32 $0x7, v3;
	v4 =	vand.u32 $0xFFFFFFC0, v60  }
0x96: {  	v3 =	vor.u32 v3, v4  }
0x97: {  	v4 =	vperm.xlane v3, v0;
	_ =	sdelay $0x1  }
0x98: {  	v4 =	vadd.s32 v1, v4;
	_ =	sdelay $0x4  }
0x99: {  	[tilespmem:s30], [sflag:$0x1] =	stream.indirect_vreg.gather [hbm4b:s13+s3], $0x80, v4, vm0, $0xb8;
	[tilespmem:$0x14280] =	vst v63  }
0x9a: {  	v3 =	vperm.xlane v3, v2  }
0x9b: {  	[tilespmem:s4], [sflag:$0x1] =	stream.indirect_vreg.gather [hbm4b:s5+s3], $0x80, v4, vm0, $0xb8;
	[tilespmem:$0x14280] =	vst v63  }
0x9c: {  	v3 =	vadd.s32 v1, v3  }
0x9d: {  	[tilespmem:s31], [sflag:$0x1] =	stream.indirect_vreg.gather [hbm4b:s6+s3], $0x80, v4, vm0, $0xb8;
	[tilespmem:$0x14280] =	vst v63  }
0x9e: {  	_ = 	snop  }
0x9f: {  	[tilespmem:s2], [sflag:$0x1] =	stream.indirect_vreg.gather [hbm4b:s7+s3], $0x80, v4, vm0, $0xb8;
	[tilespmem:$0x14280] =	vst v63  }
0xa0: {  	_ = 	snop  }
0xa1: {  	[tilespmem:s10], [sflag:$0x1] =	stream.indirect_vreg.gather [hbm4b:s13+s3], $0x80, v3, vm0, $0xb8;
	[tilespmem:$0x14280] =	vst v63  }
0xa2: {  	_ = 	snop  }
0xa3: {  	[tilespmem:s11], [sflag:$0x1] =	stream.indirect_vreg.gather [hbm4b:s5+s3], $0x80, v3, vm0, $0xb8;
	[tilespmem:$0x14280] =	vst v63  }
0xa4: {  	_ = 	snop  }
0xa5: {  	[tilespmem:s14], [sflag:$0x1] =	stream.indirect_vreg.gather [hbm4b:s6+s3], $0x80, v3, vm0, $0xb8;
	[tilespmem:$0x14280] =	vst v63  }
0xa6: {  	_ = 	snop  }
0xa7: {  	[tilespmem:s15], [sflag:$0x1] =	stream.indirect_vreg.gather [hbm4b:s7+s3], $0x80, v3, vm0, $0xb8;
	[tilespmem:$0x14280] =	vst v63  }
0xa8: {  	v3 =	vld [tilespmem:$0x190];
	_ =	sdelay $0x4  }
0xa9: {  	v61 =	vshll.u32 v3, $0x3  }
0xaa: {  	v3 =	vand.u32 $0x7, v3;
	v4 =	vand.u32 $0xFFFFFFC0, v61  }
0xab: {  	v3 =	vor.u32 v3, v4  }
0xac: {  	v4 =	vperm.xlane v3, v0;
	_ =	sdelay $0x1  }
0xad: {  	v4 =	vadd.s32 v1, v4;
	_ =	sdelay $0x4  }
0xae: {  	[tilespmem:s16], [sflag:$0x1] =	stream.indirect_vreg.gather [hbm4b:s13+s3], $0x80, v4, vm0, $0xb8;
	[tilespmem:$0x14280] =	vst v63  }
0xaf: {  	v3 =	vperm.xlane v3, v2  }
0xb0: {  	[tilespmem:s17], [sflag:$0x1] =	stream.indirect_vreg.gather [hbm4b:s5+s3], $0x80, v4, vm0, $0xb8;
	[tilespmem:$0x14280] =	vst v63  }
0xb1: {  	v3 =	vadd.s32 v1, v3  }
0xb2: {  	[tilespmem:s18], [sflag:$0x1] =	stream.indirect_vreg.gather [hbm4b:s6+s3], $0x80, v4, vm0, $0xb8;
	[tilespmem:$0x14280] =	vst v63  }
0xb3: {  	_ = 	snop  }
0xb4: {  	[tilespmem:s19], [sflag:$0x1] =	stream.indirect_vreg.gather [hbm4b:s7+s3], $0x80, v4, vm0, $0xb8;
	[tilespmem:$0x14280] =	vst v63  }
0xb5: {  	_ = 	snop  }
0xb6: {  	[tilespmem:s20], [sflag:$0x1] =	stream.indirect_vreg.gather [hbm4b:s13+s3], $0x80, v3, vm0, $0xb8;
	[tilespmem:$0x14280] =	vst v63  }
0xb7: {  	_ = 	snop  }
0xb8: {  	[tilespmem:s21], [sflag:$0x1] =	stream.indirect_vreg.gather [hbm4b:s5+s3], $0x80, v3, vm0, $0xb8;
	[tilespmem:$0x14280] =	vst v63  }
0xb9: {  	_ = 	snop  }
0xba: {  	[tilespmem:s22], [sflag:$0x1] =	stream.indirect_vreg.gather [hbm4b:s6+s3], $0x80, v3, vm0, $0xb8;
	[tilespmem:$0x14280] =	vst v63  }
0xbb: {  	s2 =	simm.s32 $0x2  }
0xbc: {  	[tilespmem:s23], [sflag:$0x1] =	stream.indirect_vreg.gather [hbm4b:s7+s3], $0x80, v3, vm0, $0xb8;
	[tilespmem:$0x14280] =	vst v63  }
0xbd: {  	_ =	swait.ge [sflag:s2], $0x8000  }
0xbe: {  	[sflag:s2] =	ssyncset.done $0x0  }
0xbf: {  	s4 =	simm.s32 $0x4;
	s10 =	rddreg [dreg:$0xa];
	[sflag:s2] =	ssyncadd.s32 $0xFFFF8000  }
0xc0: {  	[hbm4b:s10+s3] =	stream.linear.scatter [tilespmem:s12], [sflag:$0x4], $0x8000, $0x38;
	[tilespmem:$0x14280] =	vst v63  }
0xc1: {  	_ =	swait.ge [sflag:s4], $0x8000  }
0xc2: {  	[sflag:s4] =	ssyncset.done $0x0  }
0xc3: {  	[sflag:s4] =	ssyncadd.s32 $0xFFFF8000  }
0xc4: {  	v3 =	vld [tilespmem:$0x200];
	_ =	sdelay $0x4  }
0xc5: {  	v62 =	vshll.u32 v3, $0x3  }
0xc6: {  	v3 =	vand.u32 $0x7, v3;
	v4 =	vand.u32 $0xFFFFFFC0, v62  }
0xc7: {  	v3 =	vor.u32 v3, v4  }
0xc8: {  	v4 =	vperm.xlane v3, v0;
	_ =	sdelay $0x1  }
0xc9: {  	v4 =	vadd.s32 v1, v4;
	_ =	sdelay $0x4  }
0xca: {  	[tilespmem:s12], [sflag:$0x2] =	stream.indirect_vreg.gather [hbm4b:s13+s3], $0x80, v4, vm0, $0xb8;
	[tilespmem:$0x14280] =	vst v63  }
0xcb: {  	s29 =	simm.s32 $0xCA80;
	v3 =	vperm.xlane v3, v2  }
0xcc: {  	[tilespmem:s29], [sflag:$0x2] =	stream.indirect_vreg.gather [hbm4b:s5+s3], $0x80, v4, vm0, $0xb8;
	[tilespmem:$0x14280] =	vst v63  }
0xcd: {  	s31 =	simm.s32 $0xD280;
	v3 =	vadd.s32 v1, v3  }
0xce: {  	[tilespmem:s31], [sflag:$0x2] =	stream.indirect_vreg.gather [hbm4b:s6+s3], $0x80, v4, vm0, $0xb8;
	[tilespmem:$0x14280] =	vst v63  }
0xcf: {  	_ = 	snop  }
0xd0: {  	[tilespmem:s25], [sflag:$0x2] =	stream.indirect_vreg.gather [hbm4b:s7+s3], $0x80, v4, vm0, $0xb8;
	[tilespmem:$0x14280] =	vst v63  }
0xd1: {  	_ = 	snop  }
0xd2: {  	[tilespmem:s26], [sflag:$0x2] =	stream.indirect_vreg.gather [hbm4b:s13+s3], $0x80, v3, vm0, $0xb8;
	[tilespmem:$0x14280] =	vst v63  }
0xd3: {  	_ = 	snop  }
0xd4: {  	[tilespmem:s28], [sflag:$0x2] =	stream.indirect_vreg.gather [hbm4b:s5+s3], $0x80, v3, vm0, $0xb8;
	[tilespmem:$0x14280] =	vst v63  }
0xd5: {  	s29 =	simm.s32 $0xF280  }
0xd6: {  	[tilespmem:s29], [sflag:$0x2] =	stream.indirect_vreg.gather [hbm4b:s6+s3], $0x80, v3, vm0, $0xb8;
	[tilespmem:$0x14280] =	vst v63  }
0xd7: {  	s31 =	simm.s32 $0xFA80  }
0xd8: {  	[tilespmem:s31], [sflag:$0x2] =	stream.indirect_vreg.gather [hbm4b:s7+s3], $0x80, v3, vm0, $0xb8;
	[tilespmem:$0x14280] =	vst v63  }
0xd9: {  	v3 =	vld [tilespmem:$0x210];
	_ =	sdelay $0x4  }
0xda: {  	v63 =	vshll.u32 v3, $0x3  }
0xdb: {  	v3 =	vand.u32 $0x7, v3;
	v4 =	vand.u32 $0xFFFFFFC0, v63  }
0xdc: {  	v3 =	vor.u32 v3, v4  }
0xdd: {  	v4 =	vperm.xlane v3, v0;
	_ =	sdelay $0x1  }
0xde: {  	v4 =	vadd.s32 v1, v4;
	_ =	sdelay $0x3  }
0xdf: {  	s29 =	simm.s32 $0x10280  }
0xe0: {  	[tilespmem:s29], [sflag:$0x2] =	stream.indirect_vreg.gather [hbm4b:s13+s3], $0x80, v4, vm0, $0xb8;
	[tilespmem:$0x14280] =	vst v63  }
0xe1: {  	s31 =	simm.s32 $0x10A80;
	v3 =	vperm.xlane v3, v2  }
0xe2: {  	[tilespmem:s31], [sflag:$0x2] =	stream.indirect_vreg.gather [hbm4b:s5+s3], $0x80, v4, vm0, $0xb8;
	[tilespmem:$0x14280] =	vst v63  }
0xe3: {  	v3 =	vadd.s32 v1, v3;
	s29 =	simm.s32 $0x11280  }
0xe4: {  	[tilespmem:s29], [sflag:$0x2] =	stream.indirect_vreg.gather [hbm4b:s6+s3], $0x80, v4, vm0, $0xb8;
	[tilespmem:$0x14280] =	vst v63  }
0xe5: {  	s31 =	simm.s32 $0x11A80  }
0xe6: {  	[tilespmem:s31], [sflag:$0x2] =	stream.indirect_vreg.gather [hbm4b:s7+s3], $0x80, v4, vm0, $0xb8;
	[tilespmem:$0x14280] =	vst v63  }
0xe7: {  	s29 =	simm.s32 $0x12280  }
0xe8: {  	[tilespmem:s29], [sflag:$0x2] =	stream.indirect_vreg.gather [hbm4b:s13+s3], $0x80, v3, vm0, $0xb8;
	[tilespmem:$0x14280] =	vst v63  }
0xe9: {  	s31 =	simm.s32 $0x12A80  }
0xea: {  	[tilespmem:s31], [sflag:$0x2] =	stream.indirect_vreg.gather [hbm4b:s5+s3], $0x80, v3, vm0, $0xb8;
	[tilespmem:$0x14280] =	vst v63  }
0xeb: {  	s29 =	simm.s32 $0x13280  }
0xec: {  	[tilespmem:s29], [sflag:$0x2] =	stream.indirect_vreg.gather [hbm4b:s6+s3], $0x80, v3, vm0, $0xb8;
	[tilespmem:$0x14280] =	vst v63  }
0xed: {  	s31 =	simm.s32 $0x13A80  }
0xee: {  	[tilespmem:s31], [sflag:$0x2] =	stream.indirect_vreg.gather [hbm4b:s7+s3], $0x80, v3, vm0, $0xb8;
	[tilespmem:$0x14280] =	vst v63  }
0xef: {  	_ =	swait.ge [sflag:s0], $0x8000  }
0xf0: {  	[sflag:s0] =	ssyncset.done $0x0  }
0xf1: {  	s10 =	rddreg [dreg:$0xb];
	[sflag:s0] =	ssyncadd.s32 $0xFFFF8000  }
0xf2: {  	[hbm4b:s10+s3] =	stream.linear.scatter [tilespmem:s30], [sflag:$0x3], $0x8000, $0x38;
	[tilespmem:$0x14280] =	vst v63  }
0xf3: {  	_ =	swait.ge [sflag:s1], $0x8000  }
0xf4: {  	[sflag:s1] =	ssyncset.done $0x0  }
0xf5: {  	[sflag:s1] =	ssyncadd.s32 $0xFFFF8000  }
0xf6: {  	_ =	swait.ge [sflag:s2], $0x8000  }
0xf7: {  	[sflag:s2] =	ssyncset.done $0x0  }
0xf8: {  	s31 =	rddreg [dreg:$0xc];
	[sflag:s2] =	ssyncadd.s32 $0xFFFF8000  }
0xf9: {  	[hbm4b:s31+s3] =	stream.linear.scatter [tilespmem:s12], [sflag:$0x4], $0x8000, $0x38;
	[tilespmem:$0x14280] =	vst v63  }
0xfa: {  	p0 =	sne.s32 s8, $0x1;
	_ =	swait.ge [sflag:s4], $0x8000  }
.Ltmp0:
0xfb: {  	[sflag:s4] =	ssyncset.done $0x0;
	(pc) =	sbr.rel @p0 .LBB2_1-.Ltmp0, $4  }
0xfc: {  	[sflag:s4] =	ssyncadd.s32 $0xFFFF8000  }
0xfd: {  	_ =	swait.ge [sflag:s24], $0x4000  }
0xfe: {  	[sflag:s24] =	ssyncset.done $0x0  }
0xff: {  	s8 =	sadd.s32 $0xFFFFFFFF, s8;
	[sflag:s24] =	ssyncadd.s32 $0xFFFFC000  }
0x100: {  	_ =	sfence.sel $0x180000  }
0x101: {  	[bflag:$0x0] =	sbarrier.arrive $0xFFFF  }
0x102: {  	_ =	strace $0x90000047  }
0x103: {  	s0 =	stileid.u32;
	[bflag:$0x2] =	sbarrier.arrive $0xFFFF  }
0x104: {  	p0 =	sne.s32 s0, $0x0;
	s0 =	rddreg [dreg:$0x3]  }
0x105: {  	s0 =	sadd.s32 @!p0 $0x100000, s0  }
0x106: {  	[sflag:s0] =	ssyncadd.tile.s32 @!p0 $0x1;
	_ =	shalt  }
.Lfunc_end2:
_tile_overlayer_lowered:
.L_overlay_start_2:
0x107: {  	(tag) =	ssettag $0x2  }
0x108: {  	s0 =	rddreg [dreg:$0x0];
	s2 =	stileid.u32  }
0x109: {  	s1 =	rddreg [dreg:$0x1];
	p0 =	sne.s32 s2, $0x0  }
0x10a: {  	s3 =	rddreg [dreg:$0x2];
	[bflag:$0x3] =	sbarrier.arrive $0xFFFF;
	s2 =	simm.s32 @!p0 $0x1C06  }
0x10b: {  	[timem:s3], [sflag:s2] =	dma.local @!p0 [hbm:s0], s1  }
0x10c: {  	s0 =	simm.s32 @!p0 $0x6  }
0x10d: {  	_ =	swait.ge @!p0 [sflag:s0], s1  }
0x10e: {  	s1 =	ssub.s32 @!p0 $0x0, s1;
	[sflag:s0] =	ssyncset.done @!p0 $0x0  }
0x10f: {  	[sflag:s0] =	ssyncadd.s32 @!p0 s1  }
0x110: {  	[bflag:$0x3] =	sbarrier.arrive $0xFFFF  }
0x111: {  	_ =	shalt  }

</sc_bundles>
